<compile_context>
chip_gen: v7x
topology: tpu7x:2x2x1
jax: 0.10.2.dev20260603
libtpu: 0.0.44.dev20260713+nightly
codegen_flags: <defaults>
</compile_context>

<pallas_src>
import jax
import jax.numpy as jnp
from jax import lax
from jax.experimental import pallas as pl
from jax.experimental.pallas import tpu as pltpu
from jax.experimental.pallas import tpu_sc as plsc

N_ROWS = 320000
D = 128
DH = D // 2
N_SEG = 10000
SEG_PAD = 10240
RPT = SEG_PAD // 16
CH = 128
N_CHUNKS = N_ROWS // CH
NC = 2
NS = 16


def _sc_body(x_hbm, idx_hbm, out_s, out_c, idx_v, rows_v, ones_v, zcnt_v,
             sums_sh, cnts_sh):
    c = lax.axis_index("c")
    s = lax.axis_index("s")

    zeros16 = jnp.zeros((16,), jnp.float32)
    ones16 = jnp.ones((16,), jnp.float32)

    def fill_rows(i, _):
        for j in range(DH // 16):
            rows_v[i, pl.ds(j * 16, 16)] = zeros16
        ones_v[i, :] = ones16
        return 0
    lax.fori_loop(0, CH, fill_rows, 0)

    def fill_zcnt(i, _):
        zcnt_v[i, :] = zeros16
        return 0
    lax.fori_loop(0, RPT, fill_zcnt, 0)

    for k in range(RPT // CH):
        pltpu.sync_copy(rows_v, sums_sh.at[pl.ds(s * RPT + k * CH, CH)])
    pltpu.sync_copy(zcnt_v, cnts_sh.at[pl.ds(s * RPT, RPT)])

    plsc.subcore_barrier()

    start = (s * N_CHUNKS) // NS
    end = ((s + 1) * N_CHUNKS) // NS

    def chunk_body(ci, _):
        base = ci * CH
        pltpu.sync_copy(idx_hbm.at[pl.ds(base, CH)], idx_v)

        @pl.when(c == 0)
        def _():
            pltpu.sync_copy(x_hbm.at[pl.ds(base, CH), pl.ds(0, DH)], rows_v)
            pltpu.sync_copy(ones_v, cnts_sh.at[idx_v], add=True)

        @pl.when(c == 1)
        def _():
            pltpu.sync_copy(x_hbm.at[pl.ds(base, CH), pl.ds(DH, DH)], rows_v)

        pltpu.sync_copy(rows_v, sums_sh.at[idx_v], add=True)
        return 0
    lax.fori_loop(start, end, chunk_body, 0)

    plsc.subcore_barrier()

    pltpu.sync_copy(sums_sh.at[pl.ds(s * RPT, RPT)],
                    out_s.at[pl.ds(c * SEG_PAD + s * RPT, RPT)])

    @pl.when(c == 0)
    def _():
        pltpu.sync_copy(cnts_sh.at[pl.ds(s * RPT, RPT)],
                        out_c.at[pl.ds(s * RPT, RPT)])


_sc_scatter = pl.kernel(
    _sc_body,
    out_type=(
        jax.ShapeDtypeStruct((NC * SEG_PAD, DH), jnp.float32),
        jax.ShapeDtypeStruct((SEG_PAD, 16), jnp.float32),
    ),
    mesh=plsc.VectorSubcoreMesh(core_axis_name="c", subcore_axis_name="s"),
    compiler_params=pltpu.CompilerParams(use_tc_tiling_on_sc=False),
    scratch_types=[
        pltpu.VMEM((CH,), jnp.int32),
        pltpu.VMEM((CH, DH), jnp.float32),
        pltpu.VMEM((CH, 16), jnp.float32),
        pltpu.VMEM((RPT, 16), jnp.float32),
        pltpu.VMEM_SHARED((SEG_PAD, DH), jnp.float32),
        pltpu.VMEM_SHARED((SEG_PAD, 16), jnp.float32),
    ],
)

_BLK = 512
_NBLK = SEG_PAD // _BLK


def _combine_body(sa, sb, ca, out):
    inv = 1.0 / jnp.maximum(ca[:, 0:1], 1.0)
    out[...] = jnp.concatenate([sa[...], sb[...]], axis=1) * inv


def _combine(sums, cnts):
    return pl.pallas_call(
        _combine_body,
        grid=(_NBLK,),
        in_specs=[
            pl.BlockSpec((_BLK, DH), lambda i: (i, 0)),
            pl.BlockSpec((_BLK, DH), lambda i: (i + _NBLK, 0)),
            pl.BlockSpec((_BLK, 16), lambda i: (i, 0)),
        ],
        out_specs=pl.BlockSpec((_BLK, D), lambda i: (i, 0)),
        out_shape=jax.ShapeDtypeStruct((SEG_PAD, D), jnp.float32),
    )(sums, sums, cnts)


@jax.jit
def kernel(x, molecule_idx):
    idx32 = molecule_idx.astype(jnp.int32)
    sums, cnts = _sc_scatter(x, idx32)
    out = _combine(sums, cnts)
    return out[:N_SEG]

# --- scband reference (transcript-rebuilt; emitter-appended) ---
"""Pipeline reference for scband-mean-pooling-34394098106851 (READ-ONLY COPY).

The authoritative reference and input builder live on the scoring server;
editing this copy changes nothing except your own understanding.
"""

import jax, jax.numpy as jnp
import numpy as np

NUM_SEGMENTS = 10000

def setup_inputs(seed: int = 0) -> dict:
    key = jax.random.key(seed)
    k1, k2 = jax.random.split(key)
    x = jax.random.normal(k1, (320000, 128), dtype=jnp.float32)
    molecule_idx = jnp.sort(jax.random.randint(k2, (320000,), 0, NUM_SEGMENTS, dtype=jnp.int64))
    return {"x": x, "molecule_idx": molecule_idx}

def reference(x, molecule_idx):
    # global_mean_pool: segment-wise mean of node features per molecule
    sums = jax.ops.segment_sum(x, molecule_idx, num_segments=NUM_SEGMENTS)
    counts = jax.ops.segment_sum(jnp.ones((x.shape[0],), dtype=x.dtype), molecule_idx, num_segments=NUM_SEGMENTS)
    counts = jnp.clip(counts, 1.0, None)
    return sums / counts[:, None]

if __name__ == "__main__":
    import jax
    _d = setup_inputs()
    print(jax.jit(kernel)(*tuple(_d.values())))

</pallas_src>

<mosaic_0001>
#map = affine_map<(d0, d1) -> (0, 0)>
#map1 = affine_map<(d0, d1) -> (0)>
module attributes {stable_mosaic.version = 14 : i64} {
  func.func @_sc_body(%arg0: i32, %arg1: i32, %arg2: memref<320000x128xf32, #tpu.memory_space<hbm>>, %arg3: memref<320000xi32, #tpu.memory_space<hbm>>, %arg4: memref<20480x64xf32, #tpu.memory_space<hbm>>, %arg5: memref<10240x16xf32, #tpu.memory_space<hbm>>, %arg6: memref<128xi32, #tpu.memory_space<vmem>>, %arg7: memref<128x64xf32, #tpu.memory_space<vmem>>, %arg8: memref<128x16xf32, #tpu.memory_space<vmem>>, %arg9: memref<640x16xf32, #tpu.memory_space<vmem>>, %arg10: memref<10240x64xf32, #tpu.memory_space<vmem_shared>>, %arg11: memref<10240x16xf32, #tpu.memory_space<vmem_shared>>) attributes {dimension_semantics = [#tpu.dimension_semantics<core_parallel>, #tpu.dimension_semantics<subcore_parallel>], iteration_bounds = array<i64: 2, 16>, scalar_prefetch = 0 : i64, scratch_operands = 6 : i64, tpu.core_type = #tpu.core_type<sc_vector_subcore>, window_params = [{transform_indices = #map}, {transform_indices = #map1}, {transform_indices = #map}, {transform_indices = #map}]} {
    %broadcast_in_dim3A = arith.constant 0.000000e+00 : f32
    %broadcast_in_dim3A_0 = vector.broadcast %broadcast_in_dim3A : f32 to vector<16xf32>
    %broadcast_in_dim3A_1 = arith.constant 1.000000e+00 : f32
    %broadcast_in_dim3A_2 = vector.broadcast %broadcast_in_dim3A_1 : f32 to vector<16xf32>
    %scan3A = arith.constant 0 : i32
    %scan3A_3 = arith.constant 0 : i32
    %scan3A_4 = arith.constant 128 : i32
    %scan3A_5 = arith.addi %scan3A_3, %scan3A_4 : i32
    %scan3A_6 = arith.constant 1 : i32
    %scan3A_7 = scf.for %scan3A_102 = %scan3A_3 to %scan3A_5 step %scan3A_6 iter_args(%scan3A_103 = %scan3A) -> (i32)  : i32 {
      %swap3A = arith.index_cast %scan3A_102 : i32 to index
      %swap3A_104 = arith.constant 0 : index
      %swap3A_105 = tpu.vector_load %arg7[%swap3A, %swap3A_104] {strides = array<i32>} : memref<128x64xf32, #tpu.memory_space<vmem>>, vector<1x16xf32>,
      %swap3A_106 = vector.shape_cast %swap3A_105 : vector<1x16xf32> to vector<16xf32>
      %swap3A_107 = vector.shape_cast %broadcast_in_dim3A_0 : vector<16xf32> to vector<1x16xf32>
      tpu.vector_store %arg7[%swap3A, %swap3A_104], %swap3A_107 {strides = array<i32>} : memref<128x64xf32, #tpu.memory_space<vmem>>, vector<1x16xf32>,
      %swap3A_108 = arith.index_cast %scan3A_102 : i32 to index
      %swap3A_109 = arith.constant 16 : index
      %swap3A_110 = tpu.vector_load %arg7[%swap3A_108, %swap3A_109] {strides = array<i32>} : memref<128x64xf32, #tpu.memory_space<vmem>>, vector<1x16xf32>,
      %swap3A_111 = vector.shape_cast %swap3A_110 : vector<1x16xf32> to vector<16xf32>
      %swap3A_112 = vector.shape_cast %broadcast_in_dim3A_0 : vector<16xf32> to vector<1x16xf32>
      tpu.vector_store %arg7[%swap3A_108, %swap3A_109], %swap3A_112 {strides = array<i32>} : memref<128x64xf32, #tpu.memory_space<vmem>>, vector<1x16xf32>,
      %swap3A_113 = arith.index_cast %scan3A_102 : i32 to index
      %swap3A_114 = arith.constant 32 : index
      %swap3A_115 = tpu.vector_load %arg7[%swap3A_113, %swap3A_114] {strides = array<i32>} : memref<128x64xf32, #tpu.memory_space<vmem>>, vector<1x16xf32>,
      %swap3A_116 = vector.shape_cast %swap3A_115 : vector<1x16xf32> to vector<16xf32>
      %swap3A_117 = vector.shape_cast %broadcast_in_dim3A_0 : vector<16xf32> to vector<1x16xf32>
      tpu.vector_store %arg7[%swap3A_113, %swap3A_114], %swap3A_117 {strides = array<i32>} : memref<128x64xf32, #tpu.memory_space<vmem>>, vector<1x16xf32>,
      %swap3A_118 = arith.index_cast %scan3A_102 : i32 to index
      %swap3A_119 = arith.constant 48 : index
      %swap3A_120 = tpu.vector_load %arg7[%swap3A_118, %swap3A_119] {strides = array<i32>} : memref<128x64xf32, #tpu.memory_space<vmem>>, vector<1x16xf32>,
      %swap3A_121 = vector.shape_cast %swap3A_120 : vector<1x16xf32> to vector<16xf32>
      %swap3A_122 = vector.shape_cast %broadcast_in_dim3A_0 : vector<16xf32> to vector<1x16xf32>
      tpu.vector_store %arg7[%swap3A_118, %swap3A_119], %swap3A_122 {strides = array<i32>} : memref<128x64xf32, #tpu.memory_space<vmem>>, vector<1x16xf32>,
      %swap3A_123 = arith.index_cast %scan3A_102 : i32 to index
      %swap3A_124 = arith.constant 0 : index
      %swap3A_125 = tpu.vector_load %arg8[%swap3A_123, %swap3A_124] {strides = array<i32>} : memref<128x16xf32, #tpu.memory_space<vmem>>, vector<1x16xf32>,
      %swap3A_126 = vector.shape_cast %swap3A_125 : vector<1x16xf32> to vector<16xf32>
      %swap3A_127 = vector.shape_cast %broadcast_in_dim3A_2 : vector<16xf32> to vector<1x16xf32>
      tpu.vector_store %arg8[%swap3A_123, %swap3A_124], %swap3A_127 {strides = array<i32>} : memref<128x16xf32, #tpu.memory_space<vmem>>, vector<1x16xf32>,
      %scan3A_128 = arith.constant 0 : i32
      scf.yield %scan3A_128 : i32
    }
    %scan3A_8 = arith.constant 128 : i32
    %scan3A_9 = arith.constant 0 : i32
    %scan3A_10 = arith.constant 0 : i32
    %scan3A_11 = arith.constant 640 : i32
    %scan3A_12 = arith.addi %scan3A_10, %scan3A_11 : i32
    %scan3A_13 = arith.constant 1 : i32
    %scan3A_14 = scf.for %scan3A_102 = %scan3A_10 to %scan3A_12 step %scan3A_13 iter_args(%scan3A_103 = %scan3A_9) -> (i32)  : i32 {
      %swap3A = arith.index_cast %scan3A_102 : i32 to index
      %swap3A_104 = arith.constant 0 : index
      %swap3A_105 = tpu.vector_load %arg9[%swap3A, %swap3A_104] {strides = array<i32>} : memref<640x16xf32, #tpu.memory_space<vmem>>, vector<1x16xf32>,
      %swap3A_106 = vector.shape_cast %swap3A_105 : vector<1x16xf32> to vector<16xf32>
      %swap3A_107 = vector.shape_cast %broadcast_in_dim3A_0 : vector<16xf32> to vector<1x16xf32>
      tpu.vector_store %arg9[%swap3A, %swap3A_104], %swap3A_107 {strides = array<i32>} : memref<640x16xf32, #tpu.memory_space<vmem>>, vector<1x16xf32>,
      %scan3A_108 = arith.constant 0 : i32
      scf.yield %scan3A_108 : i32
    }
    %scan3A_15 = arith.constant 640 : i32
    %mul3A = arith.constant 640 : i32
    %mul3A_16 = arith.muli %arg1, %mul3A : i32
    %add3A = arith.constant 0 : i32
    %add3A_17 = arith.addi %mul3A_16, %add3A : i32
    "tpu.region"() ({
      %run_scoped3A = tpu.sem_alloc : memref<!tpu.dma_semaphore, #tpu.memory_space<semaphore_mem>>
      %dma_start3A = arith.constant 0 : i32
      %dma_start3A_102 = tpu.memref_slice %arg10[%add3A_17, %dma_start3A] : memref<10240x64xf32, #tpu.memory_space<vmem_shared>> -> memref<128x64xf32, #tpu.memory_space<vmem_shared>>
      %dma_start3A_103 = arith.constant 0 : i32
      %dma_start3A_104 = tpu.memref_slice %arg10[%add3A_17, %dma_start3A_103] : memref<10240x64xf32, #tpu.memory_space<vmem_shared>> -> memref<128x64xf32, #tpu.memory_space<vmem_shared>>
      tpu.enqueue_dma source(%arg7 : memref<128x64xf32, #tpu.memory_space<vmem>>) target(%dma_start3A_104 : memref<128x64xf32, #tpu.memory_space<vmem_shared>>) target_semaphore(%run_scoped3A : memref<!tpu.dma_semaphore, #tpu.memory_space<semaphore_mem>>)
      %dma_wait3A = arith.constant 0 : i32
      %dma_wait3A_105 = tpu.memref_slice %arg10[%add3A_17, %dma_wait3A] : memref<10240x64xf32, #tpu.memory_space<vmem_shared>> -> memref<128x64xf32, #tpu.memory_space<vmem_shared>>
      %dma_wait3A_106 = arith.constant 0 : i32
      %dma_wait3A_107 = tpu.memref_slice %arg10[%add3A_17, %dma_wait3A_106] : memref<10240x64xf32, #tpu.memory_space<vmem_shared>> -> memref<128x64xf32, #tpu.memory_space<vmem_shared>>
      tpu.wait_dma2 semaphore(%run_scoped3A : memref<!tpu.dma_semaphore, #tpu.memory_space<semaphore_mem>>) src(%arg7 : memref<128x64xf32, #tpu.memory_space<vmem>>) dst(%dma_wait3A_107 : memref<128x64xf32, #tpu.memory_space<vmem_shared>>)
      tpu.yield
    }) : () -> ()
    %mul3A_18 = arith.constant 640 : i32
    %mul3A_19 = arith.muli %arg1, %mul3A_18 : i32
    %add3A_20 = arith.constant 128 : i32
    %add3A_21 = arith.addi %mul3A_19, %add3A_20 : i32
    "tpu.region"() ({
      %run_scoped3A = tpu.sem_alloc : memref<!tpu.dma_semaphore, #tpu.memory_space<semaphore_mem>>
      %dma_start3A = arith.constant 0 : i32
      %dma_start3A_102 = tpu.memref_slice %arg10[%add3A_21, %dma_start3A] : memref<10240x64xf32, #tpu.memory_space<vmem_shared>> -> memref<128x64xf32, #tpu.memory_space<vmem_shared>>
      %dma_start3A_103 = arith.constant 0 : i32
      %dma_start3A_104 = tpu.memref_slice %arg10[%add3A_21, %dma_start3A_103] : memref<10240x64xf32, #tpu.memory_space<vmem_shared>> -> memref<128x64xf32, #tpu.memory_space<vmem_shared>>
      tpu.enqueue_dma source(%arg7 : memref<128x64xf32, #tpu.memory_space<vmem>>) target(%dma_start3A_104 : memref<128x64xf32, #tpu.memory_space<vmem_shared>>) target_semaphore(%run_scoped3A : memref<!tpu.dma_semaphore, #tpu.memory_space<semaphore_mem>>)
      %dma_wait3A = arith.constant 0 : i32
      %dma_wait3A_105 = tpu.memref_slice %arg10[%add3A_21, %dma_wait3A] : memref<10240x64xf32, #tpu.memory_space<vmem_shared>> -> memref<128x64xf32, #tpu.memory_space<vmem_shared>>
      %dma_wait3A_106 = arith.constant 0 : i32
      %dma_wait3A_107 = tpu.memref_slice %arg10[%add3A_21, %dma_wait3A_106] : memref<10240x64xf32, #tpu.memory_space<vmem_shared>> -> memref<128x64xf32, #tpu.memory_space<vmem_shared>>
      tpu.wait_dma2 semaphore(%run_scoped3A : memref<!tpu.dma_semaphore, #tpu.memory_space<semaphore_mem>>) src(%arg7 : memref<128x64xf32, #tpu.memory_space<vmem>>) dst(%dma_wait3A_107 : memref<128x64xf32, #tpu.memory_space<vmem_shared>>)
      tpu.yield
    }) : () -> ()
    %mul3A_22 = arith.constant 640 : i32
    %mul3A_23 = arith.muli %arg1, %mul3A_22 : i32
    %add3A_24 = arith.constant 256 : i32
    %add3A_25 = arith.addi %mul3A_23, %add3A_24 : i32
    "tpu.region"() ({
      %run_scoped3A = tpu.sem_alloc : memref<!tpu.dma_semaphore, #tpu.memory_space<semaphore_mem>>
      %dma_start3A = arith.constant 0 : i32
      %dma_start3A_102 = tpu.memref_slice %arg10[%add3A_25, %dma_start3A] : memref<10240x64xf32, #tpu.memory_space<vmem_shared>> -> memref<128x64xf32, #tpu.memory_space<vmem_shared>>
      %dma_start3A_103 = arith.constant 0 : i32
      %dma_start3A_104 = tpu.memref_slice %arg10[%add3A_25, %dma_start3A_103] : memref<10240x64xf32, #tpu.memory_space<vmem_shared>> -> memref<128x64xf32, #tpu.memory_space<vmem_shared>>
      tpu.enqueue_dma source(%arg7 : memref<128x64xf32, #tpu.memory_space<vmem>>) target(%dma_start3A_104 : memref<128x64xf32, #tpu.memory_space<vmem_shared>>) target_semaphore(%run_scoped3A : memref<!tpu.dma_semaphore, #tpu.memory_space<semaphore_mem>>)
      %dma_wait3A = arith.constant 0 : i32
      %dma_wait3A_105 = tpu.memref_slice %arg10[%add3A_25, %dma_wait3A] : memref<10240x64xf32, #tpu.memory_space<vmem_shared>> -> memref<128x64xf32, #tpu.memory_space<vmem_shared>>
      %dma_wait3A_106 = arith.constant 0 : i32
      %dma_wait3A_107 = tpu.memref_slice %arg10[%add3A_25, %dma_wait3A_106] : memref<10240x64xf32, #tpu.memory_space<vmem_shared>> -> memref<128x64xf32, #tpu.memory_space<vmem_shared>>
      tpu.wait_dma2 semaphore(%run_scoped3A : memref<!tpu.dma_semaphore, #tpu.memory_space<semaphore_mem>>) src(%arg7 : memref<128x64xf32, #tpu.memory_space<vmem>>) dst(%dma_wait3A_107 : memref<128x64xf32, #tpu.memory_space<vmem_shared>>)
      tpu.yield
    }) : () -> ()
    %mul3A_26 = arith.constant 640 : i32
    %mul3A_27 = arith.muli %arg1, %mul3A_26 : i32
    %add3A_28 = arith.constant 384 : i32
    %add3A_29 = arith.addi %mul3A_27, %add3A_28 : i32
    "tpu.region"() ({
      %run_scoped3A = tpu.sem_alloc : memref<!tpu.dma_semaphore, #tpu.memory_space<semaphore_mem>>
      %dma_start3A = arith.constant 0 : i32
      %dma_start3A_102 = tpu.memref_slice %arg10[%add3A_29, %dma_start3A] : memref<10240x64xf32, #tpu.memory_space<vmem_shared>> -> memref<128x64xf32, #tpu.memory_space<vmem_shared>>
      %dma_start3A_103 = arith.constant 0 : i32
      %dma_start3A_104 = tpu.memref_slice %arg10[%add3A_29, %dma_start3A_103] : memref<10240x64xf32, #tpu.memory_space<vmem_shared>> -> memref<128x64xf32, #tpu.memory_space<vmem_shared>>
      tpu.enqueue_dma source(%arg7 : memref<128x64xf32, #tpu.memory_space<vmem>>) target(%dma_start3A_104 : memref<128x64xf32, #tpu.memory_space<vmem_shared>>) target_semaphore(%run_scoped3A : memref<!tpu.dma_semaphore, #tpu.memory_space<semaphore_mem>>)
      %dma_wait3A = arith.constant 0 : i32
      %dma_wait3A_105 = tpu.memref_slice %arg10[%add3A_29, %dma_wait3A] : memref<10240x64xf32, #tpu.memory_space<vmem_shared>> -> memref<128x64xf32, #tpu.memory_space<vmem_shared>>
      %dma_wait3A_106 = arith.constant 0 : i32
      %dma_wait3A_107 = tpu.memref_slice %arg10[%add3A_29, %dma_wait3A_106] : memref<10240x64xf32, #tpu.memory_space<vmem_shared>> -> memref<128x64xf32, #tpu.memory_space<vmem_shared>>
      tpu.wait_dma2 semaphore(%run_scoped3A : memref<!tpu.dma_semaphore, #tpu.memory_space<semaphore_mem>>) src(%arg7 : memref<128x64xf32, #tpu.memory_space<vmem>>) dst(%dma_wait3A_107 : memref<128x64xf32, #tpu.memory_space<vmem_shared>>)
      tpu.yield
    }) : () -> ()
    %mul3A_30 = arith.constant 640 : i32
    %mul3A_31 = arith.muli %arg1, %mul3A_30 : i32
    %add3A_32 = arith.constant 512 : i32
    %add3A_33 = arith.addi %mul3A_31, %add3A_32 : i32
    "tpu.region"() ({
      %run_scoped3A = tpu.sem_alloc : memref<!tpu.dma_semaphore, #tpu.memory_space<semaphore_mem>>
      %dma_start3A = arith.constant 0 : i32
      %dma_start3A_102 = tpu.memref_slice %arg10[%add3A_33, %dma_start3A] : memref<10240x64xf32, #tpu.memory_space<vmem_shared>> -> memref<128x64xf32, #tpu.memory_space<vmem_shared>>
      %dma_start3A_103 = arith.constant 0 : i32
      %dma_start3A_104 = tpu.memref_slice %arg10[%add3A_33, %dma_start3A_103] : memref<10240x64xf32, #tpu.memory_space<vmem_shared>> -> memref<128x64xf32, #tpu.memory_space<vmem_shared>>
      tpu.enqueue_dma source(%arg7 : memref<128x64xf32, #tpu.memory_space<vmem>>) target(%dma_start3A_104 : memref<128x64xf32, #tpu.memory_space<vmem_shared>>) target_semaphore(%run_scoped3A : memref<!tpu.dma_semaphore, #tpu.memory_space<semaphore_mem>>)
      %dma_wait3A = arith.constant 0 : i32
      %dma_wait3A_105 = tpu.memref_slice %arg10[%add3A_33, %dma_wait3A] : memref<10240x64xf32, #tpu.memory_space<vmem_shared>> -> memref<128x64xf32, #tpu.memory_space<vmem_shared>>
      %dma_wait3A_106 = arith.constant 0 : i32
      %dma_wait3A_107 = tpu.memref_slice %arg10[%add3A_33, %dma_wait3A_106] : memref<10240x64xf32, #tpu.memory_space<vmem_shared>> -> memref<128x64xf32, #tpu.memory_space<vmem_shared>>
      tpu.wait_dma2 semaphore(%run_scoped3A : memref<!tpu.dma_semaphore, #tpu.memory_space<semaphore_mem>>) src(%arg7 : memref<128x64xf32, #tpu.memory_space<vmem>>) dst(%dma_wait3A_107 : memref<128x64xf32, #tpu.memory_space<vmem_shared>>)
      tpu.yield
    }) : () -> ()
    %mul3A_34 = arith.constant 640 : i32
    %mul3A_35 = arith.muli %arg1, %mul3A_34 : i32
    "tpu.region"() ({
      %run_scoped3A = tpu.sem_alloc : memref<!tpu.dma_semaphore, #tpu.memory_space<semaphore_mem>>
      %dma_start3A = arith.constant 0 : i32
      %dma_start3A_102 = tpu.memref_slice %arg11[%mul3A_35, %dma_start3A] : memref<10240x16xf32, #tpu.memory_space<vmem_shared>> -> memref<640x16xf32, #tpu.memory_space<vmem_shared>>
      %dma_start3A_103 = arith.constant 0 : i32
      %dma_start3A_104 = tpu.memref_slice %arg11[%mul3A_35, %dma_start3A_103] : memref<10240x16xf32, #tpu.memory_space<vmem_shared>> -> memref<640x16xf32, #tpu.memory_space<vmem_shared>>
      tpu.enqueue_dma source(%arg9 : memref<640x16xf32, #tpu.memory_space<vmem>>) target(%dma_start3A_104 : memref<640x16xf32, #tpu.memory_space<vmem_shared>>) target_semaphore(%run_scoped3A : memref<!tpu.dma_semaphore, #tpu.memory_space<semaphore_mem>>)
      %dma_wait3A = arith.constant 0 : i32
      %dma_wait3A_105 = tpu.memref_slice %arg11[%mul3A_35, %dma_wait3A] : memref<10240x16xf32, #tpu.memory_space<vmem_shared>> -> memref<640x16xf32, #tpu.memory_space<vmem_shared>>
      %dma_wait3A_106 = arith.constant 0 : i32
      %dma_wait3A_107 = tpu.memref_slice %arg11[%mul3A_35, %dma_wait3A_106] : memref<10240x16xf32, #tpu.memory_space<vmem_shared>> -> memref<640x16xf32, #tpu.memory_space<vmem_shared>>
      tpu.wait_dma2 semaphore(%run_scoped3A : memref<!tpu.dma_semaphore, #tpu.memory_space<semaphore_mem>>) src(%arg9 : memref<640x16xf32, #tpu.memory_space<vmem>>) dst(%dma_wait3A_107 : memref<640x16xf32, #tpu.memory_space<vmem_shared>>)
      tpu.yield
    }) : () -> ()
    %barrier3A = arith.constant 0 : index
    tpu.barrier barrier_id(%barrier3A)
    %mul3A_36 = arith.constant 2500 : i32
    %mul3A_37 = arith.muli %arg1, %mul3A_36 : i32
    %jit3A = arith.constant 16 : i32
    %div3A = arith.divsi %mul3A_37, %jit3A : i32
    %sign3A = arith.constant 0 : i32
    %sign3A_38 = arith.cmpi sgt, %mul3A_37, %sign3A : i32
    %sign3A_39 = arith.extui %sign3A_38 : i1 to i32
    %sign3A_40 = arith.constant 0 : i32
    %sign3A_41 = arith.cmpi slt, %mul3A_37, %sign3A_40 : i32
    %sign3A_42 = arith.extui %sign3A_41 : i1 to i32
    %sign3A_43 = arith.subi %sign3A_39, %sign3A_42 : i32
    %sign3A_44 = arith.constant 0 : i32
    %sign3A_45 = arith.cmpi sgt, %jit3A, %sign3A_44 : i32
    %sign3A_46 = arith.extui %sign3A_45 : i1 to i32
    %sign3A_47 = arith.constant 0 : i32
    %sign3A_48 = arith.cmpi slt, %jit3A, %sign3A_47 : i32
    %sign3A_49 = arith.extui %sign3A_48 : i1 to i32
    %sign3A_50 = arith.subi %sign3A_46, %sign3A_49 : i32
    %ne3A = arith.cmpi ne, %sign3A_43, %sign3A_50 : i32
    %rem3A = arith.remsi %mul3A_37, %jit3A : i32
    %ne3A_51 = arith.constant 0 : i32
    %ne3A_52 = arith.cmpi ne, %rem3A, %ne3A_51 : i32
    %and3A = arith.andi %ne3A, %ne3A_52 : i1
    %sub3A = arith.constant 1 : i32
    %sub3A_53 = arith.subi %div3A, %sub3A : i32
    %select_n3A = arith.select %and3A, %sub3A_53, %div3A : i32
    %add3A_54 = arith.constant 1 : i32
    %add3A_55 = arith.addi %arg1, %add3A_54 : i32
    %mul3A_56 = arith.constant 2500 : i32
    %mul3A_57 = arith.muli %add3A_55, %mul3A_56 : i32
    %jit3A_58 = arith.constant 16 : i32
    %div3A_59 = arith.divsi %mul3A_57, %jit3A_58 : i32
    %sign3A_60 = arith.constant 0 : i32
    %sign3A_61 = arith.cmpi sgt, %mul3A_57, %sign3A_60 : i32
    %sign3A_62 = arith.extui %sign3A_61 : i1 to i32
    %sign3A_63 = arith.constant 0 : i32
    %sign3A_64 = arith.cmpi slt, %mul3A_57, %sign3A_63 : i32
    %sign3A_65 = arith.extui %sign3A_64 : i1 to i32
    %sign3A_66 = arith.subi %sign3A_62, %sign3A_65 : i32
    %sign3A_67 = arith.constant 0 : i32
    %sign3A_68 = arith.cmpi sgt, %jit3A_58, %sign3A_67 : i32
    %sign3A_69 = arith.extui %sign3A_68 : i1 to i32
    %sign3A_70 = arith.constant 0 : i32
    %sign3A_71 = arith.cmpi slt, %jit3A_58, %sign3A_70 : i32
    %sign3A_72 = arith.extui %sign3A_71 : i1 to i32
    %sign3A_73 = arith.subi %sign3A_69, %sign3A_72 : i32
    %ne3A_74 = arith.cmpi ne, %sign3A_66, %sign3A_73 : i32
    %rem3A_75 = arith.remsi %mul3A_57, %jit3A_58 : i32
    %ne3A_76 = arith.constant 0 : i32
    %ne3A_77 = arith.cmpi ne, %rem3A_75, %ne3A_76 : i32
    %and3A_78 = arith.andi %ne3A_74, %ne3A_77 : i1
    %sub3A_79 = arith.constant 1 : i32
    %sub3A_80 = arith.subi %div3A_59, %sub3A_79 : i32
    %select_n3A_81 = arith.select %and3A_78, %sub3A_80, %div3A_59 : i32
    %while3A = arith.constant 0 : i32
    %while3A_82 = arith.subi %select_n3A_81, %select_n3A : i32
    %while3A_83 = arith.addi %select_n3A, %while3A_82 : i32
    %while3A_84 = arith.constant 1 : i32
    %while3A_85 = arith.divsi %while3A_82, %while3A_84 : i32
    %while3A_86 = arith.muli %while3A_85, %while3A_84 : i32
    %while3A_87 = arith.addi %select_n3A, %while3A_86 : i32
    %while3A_88 = arith.constant 1 : i32
    %while3A_89 = scf.for %while3A_102 = %select_n3A to %while3A_87 step %while3A_88 iter_args(%while3A_103 = %while3A) -> (i32)  : i32 {
      %mul3A_104 = arith.constant 128 : i32
      %mul3A_105 = arith.muli %while3A_102, %mul3A_104 : i32
      "tpu.region"() ({
        %run_scoped3A = tpu.sem_alloc : memref<!tpu.dma_semaphore, #tpu.memory_space<semaphore_mem>>
        %dma_start3A = tpu.memref_slice %arg3[%mul3A_105] : memref<320000xi32, #tpu.memory_space<hbm>> -> memref<128xi32, #tpu.memory_space<hbm>>
        %dma_start3A_117 = tpu.memref_slice %arg3[%mul3A_105] : memref<320000xi32, #tpu.memory_space<hbm>> -> memref<128xi32, #tpu.memory_space<hbm>>
        tpu.enqueue_dma source(%dma_start3A_117 : memref<128xi32, #tpu.memory_space<hbm>>) target(%arg6 : memref<128xi32, #tpu.memory_space<vmem>>) target_semaphore(%run_scoped3A : memref<!tpu.dma_semaphore, #tpu.memory_space<semaphore_mem>>)
        %dma_wait3A = tpu.memref_slice %arg3[%mul3A_105] : memref<320000xi32, #tpu.memory_space<hbm>> -> memref<128xi32, #tpu.memory_space<hbm>>
        %dma_wait3A_118 = tpu.memref_slice %arg3[%mul3A_105] : memref<320000xi32, #tpu.memory_space<hbm>> -> memref<128xi32, #tpu.memory_space<hbm>>
        tpu.wait_dma2 semaphore(%run_scoped3A : memref<!tpu.dma_semaphore, #tpu.memory_space<semaphore_mem>>) src(%dma_wait3A_118 : memref<128xi32, #tpu.memory_space<hbm>>) dst(%arg6 : memref<128xi32, #tpu.memory_space<vmem>>)
        tpu.yield
      }) : () -> ()
      %eq3A_106 = arith.constant 0 : i32
      %eq3A_107 = arith.cmpi eq, %arg0, %eq3A_106 : i32
      %convert_element_type3A_108 = arith.extui %eq3A_107 : i1 to i32
      %cond3A_109 = arith.constant 0 : i32
      %cond3A_110 = arith.cmpi ne, %convert_element_type3A_108, %cond3A_109 : i32
      scf.if %cond3A_110 {
        "tpu.region"() ({
          %run_scoped3A = tpu.sem_alloc : memref<!tpu.dma_semaphore, #tpu.memory_space<semaphore_mem>>
          %dma_start3A = arith.constant 0 : i32
          %dma_start3A_117 = tpu.memref_slice %arg2[%mul3A_105, %dma_start3A] : memref<320000x128xf32, #tpu.memory_space<hbm>> -> memref<128x64xf32, #tpu.memory_space<hbm>>
          %dma_start3A_118 = arith.constant 0 : i32
          %dma_start3A_119 = tpu.memref_slice %arg2[%mul3A_105, %dma_start3A_118] : memref<320000x128xf32, #tpu.memory_space<hbm>> -> memref<128x64xf32, #tpu.memory_space<hbm>>
          tpu.enqueue_dma source(%dma_start3A_119 : memref<128x64xf32, #tpu.memory_space<hbm>>) target(%arg7 : memref<128x64xf32, #tpu.memory_space<vmem>>) target_semaphore(%run_scoped3A : memref<!tpu.dma_semaphore, #tpu.memory_space<semaphore_mem>>)
          %dma_wait3A = arith.constant 0 : i32
          %dma_wait3A_120 = tpu.memref_slice %arg2[%mul3A_105, %dma_wait3A] : memref<320000x128xf32, #tpu.memory_space<hbm>> -> memref<128x64xf32, #tpu.memory_space<hbm>>
          %dma_wait3A_121 = arith.constant 0 : i32
          %dma_wait3A_122 = tpu.memref_slice %arg2[%mul3A_105, %dma_wait3A_121] : memref<320000x128xf32, #tpu.memory_space<hbm>> -> memref<128x64xf32, #tpu.memory_space<hbm>>
          tpu.wait_dma2 semaphore(%run_scoped3A : memref<!tpu.dma_semaphore, #tpu.memory_space<semaphore_mem>>) src(%dma_wait3A_122 : memref<128x64xf32, #tpu.memory_space<hbm>>) dst(%arg7 : memref<128x64xf32, #tpu.memory_space<vmem>>)
          tpu.yield
        }) : () -> ()
        "tpu.region"() ({
          %run_scoped3A = tpu.sem_alloc : memref<!tpu.dma_semaphore, #tpu.memory_space<semaphore_mem>>
          %dma_start3A = arith.constant 0 : i32
          %dma_start3A_117 = arith.constant 0 : i32
          %dma_start3A_118 = tpu.memref_slice %arg11[%dma_start3A, %dma_start3A_117] : memref<10240x16xf32, #tpu.memory_space<vmem_shared>> -> memref<10240x16xf32, #tpu.memory_space<vmem_shared>>
          tpu.enqueue_indirect_dma source(%arg8 : memref<128x16xf32, #tpu.memory_space<vmem>>) target(%dma_start3A_118 : memref<10240x16xf32, #tpu.memory_space<vmem_shared>>) offsets(%arg6 : memref<128xi32, #tpu.memory_space<vmem>>) semaphore(%run_scoped3A : memref<!tpu.dma_semaphore, #tpu.memory_space<semaphore_mem>>) {add = true}
          %dma_wait3A = arith.constant 0 : i32
          %dma_wait3A_119 = arith.constant 0 : i32
          %dma_wait3A_120 = tpu.memref_slice %arg11[%dma_wait3A, %dma_wait3A_119] : memref<10240x16xf32, #tpu.memory_space<vmem_shared>> -> memref<10240x16xf32, #tpu.memory_space<vmem_shared>>
          tpu.wait_indirect_dma semaphore(%run_scoped3A : memref<!tpu.dma_semaphore, #tpu.memory_space<semaphore_mem>>) src(%arg8 : memref<128x16xf32, #tpu.memory_space<vmem>>) dst(%dma_wait3A_120 : memref<10240x16xf32, #tpu.memory_space<vmem_shared>>)
          tpu.yield
        }) : () -> ()
      } else {
      }
      %eq3A_111 = arith.constant 1 : i32
      %eq3A_112 = arith.cmpi eq, %arg0, %eq3A_111 : i32
      %convert_element_type3A_113 = arith.extui %eq3A_112 : i1 to i32
      %cond3A_114 = arith.constant 0 : i32
      %cond3A_115 = arith.cmpi ne, %convert_element_type3A_113, %cond3A_114 : i32
      scf.if %cond3A_115 {
        "tpu.region"() ({
          %run_scoped3A = tpu.sem_alloc : memref<!tpu.dma_semaphore, #tpu.memory_space<semaphore_mem>>
          %dma_start3A = arith.constant 64 : i32
          %dma_start3A_117 = tpu.memref_slice %arg2[%mul3A_105, %dma_start3A] : memref<320000x128xf32, #tpu.memory_space<hbm>> -> memref<128x64xf32, #tpu.memory_space<hbm>>
          %dma_start3A_118 = arith.constant 64 : i32
          %dma_start3A_119 = tpu.memref_slice %arg2[%mul3A_105, %dma_start3A_118] : memref<320000x128xf32, #tpu.memory_space<hbm>> -> memref<128x64xf32, #tpu.memory_space<hbm>>
          tpu.enqueue_dma source(%dma_start3A_119 : memref<128x64xf32, #tpu.memory_space<hbm>>) target(%arg7 : memref<128x64xf32, #tpu.memory_space<vmem>>) target_semaphore(%run_scoped3A : memref<!tpu.dma_semaphore, #tpu.memory_space<semaphore_mem>>)
          %dma_wait3A = arith.constant 64 : i32
          %dma_wait3A_120 = tpu.memref_slice %arg2[%mul3A_105, %dma_wait3A] : memref<320000x128xf32, #tpu.memory_space<hbm>> -> memref<128x64xf32, #tpu.memory_space<hbm>>
          %dma_wait3A_121 = arith.constant 64 : i32
          %dma_wait3A_122 = tpu.memref_slice %arg2[%mul3A_105, %dma_wait3A_121] : memref<320000x128xf32, #tpu.memory_space<hbm>> -> memref<128x64xf32, #tpu.memory_space<hbm>>
          tpu.wait_dma2 semaphore(%run_scoped3A : memref<!tpu.dma_semaphore, #tpu.memory_space<semaphore_mem>>) src(%dma_wait3A_122 : memref<128x64xf32, #tpu.memory_space<hbm>>) dst(%arg7 : memref<128x64xf32, #tpu.memory_space<vmem>>)
          tpu.yield
        }) : () -> ()
      } else {
      }
      "tpu.region"() ({
        %run_scoped3A = tpu.sem_alloc : memref<!tpu.dma_semaphore, #tpu.memory_space<semaphore_mem>>
        %dma_start3A = arith.constant 0 : i32
        %dma_start3A_117 = arith.constant 0 : i32
        %dma_start3A_118 = tpu.memref_slice %arg10[%dma_start3A, %dma_start3A_117] : memref<10240x64xf32, #tpu.memory_space<vmem_shared>> -> memref<10240x64xf32, #tpu.memory_space<vmem_shared>>
        tpu.enqueue_indirect_dma source(%arg7 : memref<128x64xf32, #tpu.memory_space<vmem>>) target(%dma_start3A_118 : memref<10240x64xf32, #tpu.memory_space<vmem_shared>>) offsets(%arg6 : memref<128xi32, #tpu.memory_space<vmem>>) semaphore(%run_scoped3A : memref<!tpu.dma_semaphore, #tpu.memory_space<semaphore_mem>>) {add = true}
        %dma_wait3A = arith.constant 0 : i32
        %dma_wait3A_119 = arith.constant 0 : i32
        %dma_wait3A_120 = tpu.memref_slice %arg10[%dma_wait3A, %dma_wait3A_119] : memref<10240x64xf32, #tpu.memory_space<vmem_shared>> -> memref<10240x64xf32, #tpu.memory_space<vmem_shared>>
        tpu.wait_indirect_dma semaphore(%run_scoped3A : memref<!tpu.dma_semaphore, #tpu.memory_space<semaphore_mem>>) src(%arg7 : memref<128x64xf32, #tpu.memory_space<vmem>>) dst(%dma_wait3A_120 : memref<10240x64xf32, #tpu.memory_space<vmem_shared>>)
        tpu.yield
      }) : () -> ()
      %while3A_116 = arith.constant 0 : i32
      scf.yield %while3A_116 : i32
    }
    %while3A_90 = arith.constant 1 : i32
    %while3A_91 = scf.for %while3A_102 = %while3A_87 to %while3A_83 step %while3A_90 iter_args(%while3A_103 = %while3A_89) -> (i32)  : i32 {
      %mul3A_104 = arith.constant 128 : i32
      %mul3A_105 = arith.muli %while3A_102, %mul3A_104 : i32
      "tpu.region"() ({
        %run_scoped3A = tpu.sem_alloc : memref<!tpu.dma_semaphore, #tpu.memory_space<semaphore_mem>>
        %dma_start3A = tpu.memref_slice %arg3[%mul3A_105] : memref<320000xi32, #tpu.memory_space<hbm>> -> memref<128xi32, #tpu.memory_space<hbm>>
        %dma_start3A_117 = tpu.memref_slice %arg3[%mul3A_105] : memref<320000xi32, #tpu.memory_space<hbm>> -> memref<128xi32, #tpu.memory_space<hbm>>
        tpu.enqueue_dma source(%dma_start3A_117 : memref<128xi32, #tpu.memory_space<hbm>>) target(%arg6 : memref<128xi32, #tpu.memory_space<vmem>>) target_semaphore(%run_scoped3A : memref<!tpu.dma_semaphore, #tpu.memory_space<semaphore_mem>>)
        %dma_wait3A = tpu.memref_slice %arg3[%mul3A_105] : memref<320000xi32, #tpu.memory_space<hbm>> -> memref<128xi32, #tpu.memory_space<hbm>>
        %dma_wait3A_118 = tpu.memref_slice %arg3[%mul3A_105] : memref<320000xi32, #tpu.memory_space<hbm>> -> memref<128xi32, #tpu.memory_space<hbm>>
        tpu.wait_dma2 semaphore(%run_scoped3A : memref<!tpu.dma_semaphore, #tpu.memory_space<semaphore_mem>>) src(%dma_wait3A_118 : memref<128xi32, #tpu.memory_space<hbm>>) dst(%arg6 : memref<128xi32, #tpu.memory_space<vmem>>)
        tpu.yield
      }) : () -> ()
      %eq3A_106 = arith.constant 0 : i32
      %eq3A_107 = arith.cmpi eq, %arg0, %eq3A_106 : i32
      %convert_element_type3A_108 = arith.extui %eq3A_107 : i1 to i32
      %cond3A_109 = arith.constant 0 : i32
      %cond3A_110 = arith.cmpi ne, %convert_element_type3A_108, %cond3A_109 : i32
      scf.if %cond3A_110 {
        "tpu.region"() ({
          %run_scoped3A = tpu.sem_alloc : memref<!tpu.dma_semaphore, #tpu.memory_space<semaphore_mem>>
          %dma_start3A = arith.constant 0 : i32
          %dma_start3A_117 = tpu.memref_slice %arg2[%mul3A_105, %dma_start3A] : memref<320000x128xf32, #tpu.memory_space<hbm>> -> memref<128x64xf32, #tpu.memory_space<hbm>>
          %dma_start3A_118 = arith.constant 0 : i32
          %dma_start3A_119 = tpu.memref_slice %arg2[%mul3A_105, %dma_start3A_118] : memref<320000x128xf32, #tpu.memory_space<hbm>> -> memref<128x64xf32, #tpu.memory_space<hbm>>
          tpu.enqueue_dma source(%dma_start3A_119 : memref<128x64xf32, #tpu.memory_space<hbm>>) target(%arg7 : memref<128x64xf32, #tpu.memory_space<vmem>>) target_semaphore(%run_scoped3A : memref<!tpu.dma_semaphore, #tpu.memory_space<semaphore_mem>>)
          %dma_wait3A = arith.constant 0 : i32
          %dma_wait3A_120 = tpu.memref_slice %arg2[%mul3A_105, %dma_wait3A] : memref<320000x128xf32, #tpu.memory_space<hbm>> -> memref<128x64xf32, #tpu.memory_space<hbm>>
          %dma_wait3A_121 = arith.constant 0 : i32
          %dma_wait3A_122 = tpu.memref_slice %arg2[%mul3A_105, %dma_wait3A_121] : memref<320000x128xf32, #tpu.memory_space<hbm>> -> memref<128x64xf32, #tpu.memory_space<hbm>>
          tpu.wait_dma2 semaphore(%run_scoped3A : memref<!tpu.dma_semaphore, #tpu.memory_space<semaphore_mem>>) src(%dma_wait3A_122 : memref<128x64xf32, #tpu.memory_space<hbm>>) dst(%arg7 : memref<128x64xf32, #tpu.memory_space<vmem>>)
          tpu.yield
        }) : () -> ()
        "tpu.region"() ({
          %run_scoped3A = tpu.sem_alloc : memref<!tpu.dma_semaphore, #tpu.memory_space<semaphore_mem>>
          %dma_start3A = arith.constant 0 : i32
          %dma_start3A_117 = arith.constant 0 : i32
          %dma_start3A_118 = tpu.memref_slice %arg11[%dma_start3A, %dma_start3A_117] : memref<10240x16xf32, #tpu.memory_space<vmem_shared>> -> memref<10240x16xf32, #tpu.memory_space<vmem_shared>>
          tpu.enqueue_indirect_dma source(%arg8 : memref<128x16xf32, #tpu.memory_space<vmem>>) target(%dma_start3A_118 : memref<10240x16xf32, #tpu.memory_space<vmem_shared>>) offsets(%arg6 : memref<128xi32, #tpu.memory_space<vmem>>) semaphore(%run_scoped3A : memref<!tpu.dma_semaphore, #tpu.memory_space<semaphore_mem>>) {add = true}
          %dma_wait3A = arith.constant 0 : i32
          %dma_wait3A_119 = arith.constant 0 : i32
          %dma_wait3A_120 = tpu.memref_slice %arg11[%dma_wait3A, %dma_wait3A_119] : memref<10240x16xf32, #tpu.memory_space<vmem_shared>> -> memref<10240x16xf32, #tpu.memory_space<vmem_shared>>
          tpu.wait_indirect_dma semaphore(%run_scoped3A : memref<!tpu.dma_semaphore, #tpu.memory_space<semaphore_mem>>) src(%arg8 : memref<128x16xf32, #tpu.memory_space<vmem>>) dst(%dma_wait3A_120 : memref<10240x16xf32, #tpu.memory_space<vmem_shared>>)
          tpu.yield
        }) : () -> ()
      } else {
      }
      %eq3A_111 = arith.constant 1 : i32
      %eq3A_112 = arith.cmpi eq, %arg0, %eq3A_111 : i32
      %convert_element_type3A_113 = arith.extui %eq3A_112 : i1 to i32
      %cond3A_114 = arith.constant 0 : i32
      %cond3A_115 = arith.cmpi ne, %convert_element_type3A_113, %cond3A_114 : i32
      scf.if %cond3A_115 {
        "tpu.region"() ({
          %run_scoped3A = tpu.sem_alloc : memref<!tpu.dma_semaphore, #tpu.memory_space<semaphore_mem>>
          %dma_start3A = arith.constant 64 : i32
          %dma_start3A_117 = tpu.memref_slice %arg2[%mul3A_105, %dma_start3A] : memref<320000x128xf32, #tpu.memory_space<hbm>> -> memref<128x64xf32, #tpu.memory_space<hbm>>
          %dma_start3A_118 = arith.constant 64 : i32
          %dma_start3A_119 = tpu.memref_slice %arg2[%mul3A_105, %dma_start3A_118] : memref<320000x128xf32, #tpu.memory_space<hbm>> -> memref<128x64xf32, #tpu.memory_space<hbm>>
          tpu.enqueue_dma source(%dma_start3A_119 : memref<128x64xf32, #tpu.memory_space<hbm>>) target(%arg7 : memref<128x64xf32, #tpu.memory_space<vmem>>) target_semaphore(%run_scoped3A : memref<!tpu.dma_semaphore, #tpu.memory_space<semaphore_mem>>)
          %dma_wait3A = arith.constant 64 : i32
          %dma_wait3A_120 = tpu.memref_slice %arg2[%mul3A_105, %dma_wait3A] : memref<320000x128xf32, #tpu.memory_space<hbm>> -> memref<128x64xf32, #tpu.memory_space<hbm>>
          %dma_wait3A_121 = arith.constant 64 : i32
          %dma_wait3A_122 = tpu.memref_slice %arg2[%mul3A_105, %dma_wait3A_121] : memref<320000x128xf32, #tpu.memory_space<hbm>> -> memref<128x64xf32, #tpu.memory_space<hbm>>
          tpu.wait_dma2 semaphore(%run_scoped3A : memref<!tpu.dma_semaphore, #tpu.memory_space<semaphore_mem>>) src(%dma_wait3A_122 : memref<128x64xf32, #tpu.memory_space<hbm>>) dst(%arg7 : memref<128x64xf32, #tpu.memory_space<vmem>>)
          tpu.yield
        }) : () -> ()
      } else {
      }
      "tpu.region"() ({
        %run_scoped3A = tpu.sem_alloc : memref<!tpu.dma_semaphore, #tpu.memory_space<semaphore_mem>>
        %dma_start3A = arith.constant 0 : i32
        %dma_start3A_117 = arith.constant 0 : i32
        %dma_start3A_118 = tpu.memref_slice %arg10[%dma_start3A, %dma_start3A_117] : memref<10240x64xf32, #tpu.memory_space<vmem_shared>> -> memref<10240x64xf32, #tpu.memory_space<vmem_shared>>
        tpu.enqueue_indirect_dma source(%arg7 : memref<128x64xf32, #tpu.memory_space<vmem>>) target(%dma_start3A_118 : memref<10240x64xf32, #tpu.memory_space<vmem_shared>>) offsets(%arg6 : memref<128xi32, #tpu.memory_space<vmem>>) semaphore(%run_scoped3A : memref<!tpu.dma_semaphore, #tpu.memory_space<semaphore_mem>>) {add = true}
        %dma_wait3A = arith.constant 0 : i32
        %dma_wait3A_119 = arith.constant 0 : i32
        %dma_wait3A_120 = tpu.memref_slice %arg10[%dma_wait3A, %dma_wait3A_119] : memref<10240x64xf32, #tpu.memory_space<vmem_shared>> -> memref<10240x64xf32, #tpu.memory_space<vmem_shared>>
        tpu.wait_indirect_dma semaphore(%run_scoped3A : memref<!tpu.dma_semaphore, #tpu.memory_space<semaphore_mem>>) src(%arg7 : memref<128x64xf32, #tpu.memory_space<vmem>>) dst(%dma_wait3A_120 : memref<10240x64xf32, #tpu.memory_space<vmem_shared>>)
        tpu.yield
      }) : () -> ()
      %while3A_116 = arith.constant 0 : i32
      scf.yield %while3A_116 : i32
    }
    %barrier3A_92 = arith.constant 0 : index
    tpu.barrier barrier_id(%barrier3A_92)
    %mul3A_93 = arith.constant 640 : i32
    %mul3A_94 = arith.muli %arg1, %mul3A_93 : i32
    %mul3A_95 = arith.constant 10240 : i32
    %mul3A_96 = arith.muli %arg0, %mul3A_95 : i32
    %mul3A_97 = arith.constant 640 : i32
    %mul3A_98 = arith.muli %arg1, %mul3A_97 : i32
    %add3A_99 = arith.addi %mul3A_96, %mul3A_98 : i32
    "tpu.region"() ({
      %run_scoped3A = tpu.sem_alloc : memref<!tpu.dma_semaphore, #tpu.memory_space<semaphore_mem>>
      %dma_start3A = arith.constant 0 : i32
      %dma_start3A_102 = tpu.memref_slice %arg4[%add3A_99, %dma_start3A] : memref<20480x64xf32, #tpu.memory_space<hbm>> -> memref<640x64xf32, #tpu.memory_space<hbm>>
      %dma_start3A_103 = arith.constant 0 : i32
      %dma_start3A_104 = tpu.memref_slice %arg10[%mul3A_94, %dma_start3A_103] : memref<10240x64xf32, #tpu.memory_space<vmem_shared>> -> memref<640x64xf32, #tpu.memory_space<vmem_shared>>
      tpu.enqueue_dma source(%dma_start3A_104 : memref<640x64xf32, #tpu.memory_space<vmem_shared>>) target(%dma_start3A_102 : memref<640x64xf32, #tpu.memory_space<hbm>>) target_semaphore(%run_scoped3A : memref<!tpu.dma_semaphore, #tpu.memory_space<semaphore_mem>>)
      %dma_wait3A = arith.constant 0 : i32
      %dma_wait3A_105 = tpu.memref_slice %arg4[%add3A_99, %dma_wait3A] : memref<20480x64xf32, #tpu.memory_space<hbm>> -> memref<640x64xf32, #tpu.memory_space<hbm>>
      %dma_wait3A_106 = arith.constant 0 : i32
      %dma_wait3A_107 = tpu.memref_slice %arg10[%mul3A_94, %dma_wait3A_106] : memref<10240x64xf32, #tpu.memory_space<vmem_shared>> -> memref<640x64xf32, #tpu.memory_space<vmem_shared>>
      tpu.wait_dma2 semaphore(%run_scoped3A : memref<!tpu.dma_semaphore, #tpu.memory_space<semaphore_mem>>) src(%dma_wait3A_107 : memref<640x64xf32, #tpu.memory_space<vmem_shared>>) dst(%dma_wait3A_105 : memref<640x64xf32, #tpu.memory_space<hbm>>)
      tpu.yield
    }) : () -> ()
    %eq3A = arith.constant 0 : i32
    %eq3A_100 = arith.cmpi eq, %arg0, %eq3A : i32
    %convert_element_type3A = arith.extui %eq3A_100 : i1 to i32
    %cond3A = arith.constant 0 : i32
    %cond3A_101 = arith.cmpi ne, %convert_element_type3A, %cond3A : i32
    scf.if %cond3A_101 {
      %mul3A_102 = arith.constant 640 : i32
      %mul3A_103 = arith.muli %arg1, %mul3A_102 : i32
      %mul3A_104 = arith.constant 640 : i32
      %mul3A_105 = arith.muli %arg1, %mul3A_104 : i32
      "tpu.region"() ({
        %run_scoped3A = tpu.sem_alloc : memref<!tpu.dma_semaphore, #tpu.memory_space<semaphore_mem>>
        %dma_start3A = arith.constant 0 : i32
        %dma_start3A_106 = tpu.memref_slice %arg5[%mul3A_105, %dma_start3A] : memref<10240x16xf32, #tpu.memory_space<hbm>> -> memref<640x16xf32, #tpu.memory_space<hbm>>
        %dma_start3A_107 = arith.constant 0 : i32
        %dma_start3A_108 = tpu.memref_slice %arg11[%mul3A_103, %dma_start3A_107] : memref<10240x16xf32, #tpu.memory_space<vmem_shared>> -> memref<640x16xf32, #tpu.memory_space<vmem_shared>>
        tpu.enqueue_dma source(%dma_start3A_108 : memref<640x16xf32, #tpu.memory_space<vmem_shared>>) target(%dma_start3A_106 : memref<640x16xf32, #tpu.memory_space<hbm>>) target_semaphore(%run_scoped3A : memref<!tpu.dma_semaphore, #tpu.memory_space<semaphore_mem>>)
        %dma_wait3A = arith.constant 0 : i32
        %dma_wait3A_109 = tpu.memref_slice %arg5[%mul3A_105, %dma_wait3A] : memref<10240x16xf32, #tpu.memory_space<hbm>> -> memref<640x16xf32, #tpu.memory_space<hbm>>
        %dma_wait3A_110 = arith.constant 0 : i32
        %dma_wait3A_111 = tpu.memref_slice %arg11[%mul3A_103, %dma_wait3A_110] : memref<10240x16xf32, #tpu.memory_space<vmem_shared>> -> memref<640x16xf32, #tpu.memory_space<vmem_shared>>
        tpu.wait_dma2 semaphore(%run_scoped3A : memref<!tpu.dma_semaphore, #tpu.memory_space<semaphore_mem>>) src(%dma_wait3A_111 : memref<640x16xf32, #tpu.memory_space<vmem_shared>>) dst(%dma_wait3A_109 : memref<640x16xf32, #tpu.memory_space<hbm>>)
        tpu.yield
      }) : () -> ()
    } else {
    }
    return
  }
}

module attributes {stable_mosaic.version = 14 : i64} {
  func.func @_combine_body(%arg0: i32, %arg1: memref<512x64xf32, #tpu.memory_space<vmem>>, %arg2: memref<512x64xf32, #tpu.memory_space<vmem>>, %arg3: memref<512x16xf32, #tpu.memory_space<vmem>>, %arg4: memref<512x128xf32, #tpu.memory_space<vmem>>) attributes {dimension_semantics = [#tpu.dimension_semantics<arbitrary>], iteration_bounds = array<i64: 20>, scalar_prefetch = 0 : i64, scratch_operands = 0 : i64, tpu.core_type = #tpu.core_type<tc>, window_params = [{transform_indices = @transform_0, window_bounds = array<i64: 512, 64>}, {transform_indices = @transform_1, window_bounds = array<i64: 512, 64>}, {transform_indices = @transform_2, window_bounds = array<i64: 512, 16>}, {transform_indices = @transform_3, window_bounds = array<i64: 512, 128>}]} {
    %get3A = arith.constant 0 : index
    %get3A_0 = arith.constant 0 : index
    %get3A_1 = vector.load %arg3[%get3A, %get3A_0] : memref<512x16xf32, #tpu.memory_space<vmem>>, vector<512x1xf32>
    %max3A = arith.constant 1.000000e+00 : f32
    %max3A_2 = vector.broadcast %max3A : f32 to vector<512x1xf32>
    %max3A_3 = arith.maximumf %get3A_1, %max3A_2 : vector<512x1xf32>
    %div3A = arith.constant 1.000000e+00 : f32
    %div3A_4 = vector.broadcast %div3A : f32 to vector<512x1xf32>
    %div3A_5 = arith.divf %div3A_4, %max3A_3 : vector<512x1xf32>
    %get3A_6 = arith.constant 0 : index
    %get3A_7 = arith.constant 0 : index
    %get3A_8 = vector.load %arg1[%get3A_6, %get3A_7] : memref<512x64xf32, #tpu.memory_space<vmem>>, vector<512x64xf32>
    %get3A_9 = arith.constant 0 : index
    %get3A_10 = arith.constant 0 : index
    %get3A_11 = vector.load %arg2[%get3A_9, %get3A_10] : memref<512x64xf32, #tpu.memory_space<vmem>>, vector<512x64xf32>
    %concatenate3A = tpu.concatenate %get3A_8, %get3A_11 in 1 : vector<512x64xf32>, vector<512x64xf32> -> vector<512x128xf32>
    %mul3A = vector.broadcast %div3A_5 : vector<512x1xf32> to vector<512x128xf32>
    %mul3A_12 = arith.mulf %concatenate3A, %mul3A : vector<512x128xf32>
    %swap3A = arith.constant 0 : index
    %swap3A_13 = arith.constant 0 : index
    %swap3A_14 = vector.load %arg4[%swap3A, %swap3A_13] : memref<512x128xf32, #tpu.memory_space<vmem>>, vector<512x128xf32>
    tpu.vector_store %arg4[%swap3A, %swap3A_13], %mul3A_12 {strides = array<i32>} : memref<512x128xf32, #tpu.memory_space<vmem>>, vector<512x128xf32>,
    return
  }
  func.func @transform_0(%arg0: i32) -> (i32, i32) {
    %c0_i32 = arith.constant 0 : i32
    %c0_i32_0 = arith.constant 0 : i32
    return %arg0, %c0_i32 : i32, i32
  }
  func.func @transform_1(%arg0: i32) -> (i32, i32) {
    %add3A = arith.constant 20 : i32
    %add3A_0 = arith.addi %arg0, %add3A : i32
    %c0_i32 = arith.constant 0 : i32
    %c0_i32_1 = arith.constant 0 : i32
    return %add3A_0, %c0_i32 : i32, i32
  }
  func.func @transform_2(%arg0: i32) -> (i32, i32) {
    %c0_i32 = arith.constant 0 : i32
    %c0_i32_0 = arith.constant 0 : i32
    return %arg0, %c0_i32 : i32, i32
  }
  func.func @transform_3(%arg0: i32) -> (i32, i32) {
    %c0_i32 = arith.constant 0 : i32
    %c0_i32_0 = arith.constant 0 : i32
    return %arg0, %c0_i32 : i32, i32
  }
}

</mosaic_0001>

<sc_bundles>
// kernel: kernel.4.cloned.1.call-start
scs
__scs_entry_jumppad:
0x0: {  	(pc) =	sbr.rel $0x88, $3  }
0x1: {  	(tag) =	ssettag $0x0;
	lr =	simm.s32 $0x1  }
0x2: {  	[smem:$0x3F9F] =	sst lr;
	_ =	strace $0xD0000000  }
0x3: {  	_ = 	snop  }
0x4: {  	_ = 	snop  }
0x5: {  	_ = 	snop  }
0x6: {  	_ = 	snop  }
0x7: {  	_ = 	snop  }
__scs_overlays_trampoline_lowered:
0x8: {  	[smem:$0x3FAE] =	sst s0  }
0x9: {  	[smem:$0x3FAF] =	sst s1  }
0xa: {  	[smem:$0x3FB0] =	sst s2  }
0xb: {  	[smem:$0x3FB1] =	sst s3  }
0xc: {  	[smem:$0x3FB2] =	sst s4  }
0xd: {  	[smem:$0x3FB3] =	sst s5  }
0xe: {  	[smem:$0x3FB4] =	sst s6  }
0xf: {  	[smem:$0x3FB5] =	sst s7  }
0x10: {  	[smem:$0x3FB6] =	sst s8  }
0x11: {  	[smem:$0x3FB7] =	sst s9;
	s0 =	simm.s32 @!p0 $0x0  }
0x12: {  	s1 =	sld [smem:$0x3F9D];
	s0 =	simm.s32 @p0 $0x1  }
0x13: {  	[smem:$0x3FB8] =	sst s0;
	s0 =	simm.s32 @!p1 $0x0  }
0x14: {  	s2 =	sld [smem:$0x3F9C];
	s0 =	simm.s32 @p1 $0x1  }
0x15: {  	[smem:$0x3FB9] =	sst s0;
	s0 =	simm.s32 @!p2 $0x0  }
0x16: {  	s3 =	sld [smem:$0x3FDB];
	s0 =	simm.s32 @p2 $0x1  }
0x17: {  	s4 =	simm.s32 $0x1BF5;
	[smem:$0x3FBB] =	sst s0  }
0x18: {  	s0 =	sld [smem:$0x3F9E];
	_ =	swait.ge [sflag:s4], $0x0  }
0x19: {  	s7 =	sld [smem:$0x3F9F]  }
0x1a: {  	s8 =	sadd.s32 $0xFFFFE003, lr  }
0x1b: {  	s9 =	sadd.s32 $0xFFFFFEF7, lr;
	s5 =	simm.s32 $0xFFFFFFFF;
	p2 =	slt.u32 s8, $0xFFFFF086  }
0x1c: {  	p1 =	slt.u32 s9, $0xF7A;
	s5 =	simm.s32 @!p2 $0x0  }
0x1d: {  	s5 =	simm.s32 @p1 $0x1;
	p0 =	seq.s32 s7, s2  }
0x1e: {  	s7 =	smul.u32 @!p0 $0xF7A, s2;
	p2 =	seq.s32 @!p0 s5, $0x0  }
0x1f: {  	s9 =	smul.u32 $0xF7A, s1;
	s8 =	simm.s32 @!p0 $0x1BF5;
	p2 =	por !p2, p0  }
0x20: {  	[sflag:s8] =	ssyncset.s32 @!p0 $0xFFFFF086;
	s6 =	sadd.s32 @!p0 s3, s7;
	s7 =	simm.s32 @!p0 $0x108  }
0x21: {  	s3 =	sadd.s32 s3, s9;
	s6 =	sadd.s32 @!p0 $0x88, s6;
	s7 =	simm.s32 @p2 $0x1082  }
0x22: {  	[simem:s7], [sflag:s8] =	dma.local @!p0 [hbm:s6], $0xF7A  }
0x23: {  	s9 =	sor.u32 $0xD0000000, s2;
	s6 =	simm.s32 $0x108;
	_ =	swait.ge @!p0 [sflag:s8], $0x0  }
0x24: {  	s3 =	sadd.s32 $0x88, s3;
	s6 =	simm.s32 @!p1 $0x1082;
	[sflag:s4] =	ssyncset.s32 $0xFFFFF086  }
0x25: {  	[simem:s6], [sflag:s4] =	dma.local [hbm:s3], $0xF7A  }
0x26: {  	[smem:$0x3F9F] =	sst s1;
	(tag) =	ssettag s2;
	_ =	strace s9  }
0x27: {  	s1 =	sld [smem:$0x3FAF]  }
0x28: {  	s2 =	sld [smem:$0x3FB0]  }
0x29: {  	s4 =	sld [smem:$0x3FB2]  }
0x2a: {  	p0 =	seq.s32 s5, $0x0;
	s5 =	sld [smem:$0x3FB3]  }
0x2b: {  	s6 =	sld [smem:$0x3FB4]  }
0x2c: {  	s7 =	sld [smem:$0x3FB5]  }
0x2d: {  	s3 =	simm.s32 $0x108;
	s8 =	sld [smem:$0x3FB6]  }
0x2e: {  	s3 =	simm.s32 @!p0 $0x1082;
	s9 =	sld [smem:$0x3FB7]  }
0x2f: {  	lr =	sadd.s32 s0, s3;
	s0 =	sld [smem:$0x3FAE]  }
0x30: {  	s3 =	sld [smem:$0x3FB1]  }
0x31: {  	[smem:$0x3FBA] =	sst s10  }
0x32: {  	s10 =	sld [smem:$0x3FB8];
	_ =	sdelay $0x3  }
0x33: {  	p0 =	seq.s32 s10, $0x1;
	s10 =	sld [smem:$0x3FBA];
	_ =	sdelay $0x3  }
0x34: {  	[smem:$0x3FBA] =	sst s10  }
0x35: {  	s10 =	sld [smem:$0x3FB9];
	_ =	sdelay $0x3  }
0x36: {  	p1 =	seq.s32 s10, $0x1;
	s10 =	sld [smem:$0x3FBA];
	_ =	sdelay $0x3  }
0x37: {  	[smem:$0x3FBA] =	sst s10  }
0x38: {  	s10 =	sld [smem:$0x3FBB]  }
0x39: {  	_ = 	snop;
	(pc) =	sbr.ind lr, $3  }
0x3a: {  	_ = 	snop  }
0x3b: {  	_ = 	snop  }
0x3c: {  	p2 =	seq.s32 s10, $0x1;
	s10 =	sld [smem:$0x3FBA]  }
0x3d: {  	_ =	shalt  }
0x3e: {  	_ =	shalt  }
0x3f: {  	_ =	shalt  }
0x40: {  	_ =	shalt  }
0x41: {  	_ =	shalt  }
0x42: {  	_ =	shalt  }
0x43: {  	_ =	shalt  }
0x44: {  	_ =	shalt  }
0x45: {  	_ =	shalt  }
0x46: {  	_ =	shalt  }
0x47: {  	_ =	shalt  }
0x48: {  	_ =	shalt  }
0x49: {  	_ =	shalt  }
0x4a: {  	_ =	shalt  }
0x4b: {  	_ =	shalt  }
0x4c: {  	_ =	shalt  }
0x4d: {  	_ =	shalt  }
0x4e: {  	_ =	shalt  }
0x4f: {  	_ =	shalt  }
0x50: {  	_ =	shalt  }
0x51: {  	_ =	shalt  }
0x52: {  	_ =	shalt  }
0x53: {  	_ =	shalt  }
0x54: {  	_ =	shalt  }
0x55: {  	_ =	shalt  }
0x56: {  	_ =	shalt  }
0x57: {  	_ =	shalt  }
0x58: {  	_ =	shalt  }
0x59: {  	_ =	shalt  }
0x5a: {  	_ =	shalt  }
0x5b: {  	_ =	shalt  }
0x5c: {  	_ =	shalt  }
0x5d: {  	_ =	shalt  }
0x5e: {  	_ =	shalt  }
0x5f: {  	_ =	shalt  }
0x60: {  	_ =	shalt  }
0x61: {  	_ =	shalt  }
0x62: {  	_ =	shalt  }
0x63: {  	_ =	shalt  }
0x64: {  	_ =	shalt  }
0x65: {  	_ =	shalt  }
0x66: {  	_ =	shalt  }
0x67: {  	_ =	shalt  }
0x68: {  	_ =	shalt  }
0x69: {  	_ =	shalt  }
0x6a: {  	_ =	shalt  }
0x6b: {  	_ =	shalt  }
0x6c: {  	_ =	shalt  }
0x6d: {  	_ =	shalt  }
0x6e: {  	_ =	shalt  }
0x6f: {  	_ =	shalt  }
0x70: {  	_ =	shalt  }
0x71: {  	_ =	shalt  }
0x72: {  	_ =	shalt  }
0x73: {  	_ =	shalt  }
0x74: {  	_ =	shalt  }
0x75: {  	_ =	shalt  }
0x76: {  	_ =	shalt  }
0x77: {  	_ =	shalt  }
0x78: {  	_ =	shalt  }
0x79: {  	_ =	shalt  }
0x7a: {  	_ =	shalt  }
0x7b: {  	_ =	shalt  }
0x7c: {  	_ =	shalt  }
0x7d: {  	_ =	shalt  }
0x7e: {  	_ =	shalt  }
0x7f: {  	_ =	shalt  }
0x80: {  	_ =	shalt  }
0x81: {  	_ =	shalt  }
0x82: {  	_ =	shalt  }
0x83: {  	_ =	shalt  }
0x84: {  	_ =	shalt  }
0x85: {  	_ =	shalt  }
0x86: {  	_ =	shalt  }
0x87: {  	_ =	shalt  }
.Lfunc_end0:
.L_simem_size_0:
called_computation_lowered:
.L_overlay_start_0:
0x88: {  	s2 =	sld [smem:$0x3FD9]  }
0x89: {  	s3 =	sld [smem:$0x3FFE];
	_ =	sdelay $0x1  }
0x8a: {  	s1 =	srdreg.scid  }
0x8b: {  	s0 =	sand.u32 $0x1, s1  }
0x8c: {  	s17 =	sshll.u32 s0, $0xA;
	s2 =	sadd.s32 s3, s2  }
0x8d: {  	s2 =	sadd.s32 s2, s17  }
0x8e: {  	[smem:$0x3FC6] =	sst s2  }
0x8f: {  	_ = 	snop  }
0x90: {  	s2 =	sld [smem:$0x3FC9]  }
0x91: {  	s18 =	sld [smem:$0x3FC8]  }
0x92: {  	s4 =	sld [smem:$0x3FD0];
	(tm) =	ssettm $0x1  }
0x93: {  	s5 =	sld [smem:$0x3FFB];
	_ =	sdelay $0x3  }
0x94: {  	_ =	strace s5  }
0x95: {  	s5 =	sld [smem:$0x3FFC];
	_ =	sdelay $0x3  }
0x96: {  	_ =	strace s5  }
0x97: {  	s5 =	sld [smem:$0x3FFD];
	_ =	sdelay $0x3  }
0x98: {  	_ =	strace s5  }
0x99: {  	_ =	strace $0x8FFFFFFF  }
0x9a: {  	s19 =	sld [smem:$0x3FDB];
	_ =	sdelay $0x1  }
0x9b: {  	s6 =	simm.s32 $_scs_section_size  }
0x9c: {  	s7 =	simm.s32 $_size__tile_overlayer_lowered;
	s8 =	simm.s32 $_tile_overlayer_lowered  }
0x9d: {  	s22 =	simm.s32 $0x1BFF;
	s21 =	sshll.u32 s8, $0x1;
	s5 =	sadd.s32 s6, s19  }
0x9e: {  	s9 =	simm.s32 $0x0;
	s20 =	sshll.u32 s7, $0x1;
	s7 =	sadd.s32 s21, s5  }
0x9f: {  	[timem:s9], [sflag:s22] =	dma.local [hbm:s7], s20  }
0xa0: {  	_ =	swait.ge [sflag:s22], s20  }
0xa1: {  	s6 =	ssub.s32 $0x0, s20;
	[sflag:s22] =	ssyncset.done $0x0  }
0xa2: {  	[sflag:s22] =	ssyncadd.s32 s6;
	_ =	sdelay $0x1  }
0xa3: {  	s23 =	simm.s32 $0x1B8B  }
0xa4: {  	_ =	swait.ge [sflag:s23], $0x1  }
0xa5: {  	[sflag:s23] =	ssyncset.done $0x0  }
0xa6: {  	s25 =	simm.s32 $0x1B8E;
	s24 =	sld [smem:$0x3FFE];
	[sflag:s23] =	ssyncadd.s32 $0xFFFFFFFF  }
0xa7: {  	s26 =	simm.s32 $execute0_lowered;
	[smem:$0x3FD2] =	sst s25  }
0xa8: {  	s7 =	sshll.u32 s26, $0x1;
	_ =	strace $0x80000046;
	[dreg:$0x1] =	wrdreg $0xFFFFFFFF  }
0xa9: {  	s28 =	simm.s32 $_size_execute0_lowered;
	s5 =	sadd.s32 s5, s7;
	[dreg:$0x0] =	wrdreg $0x0  }
0xaa: {  	s7 =	sshll.u32 s28, $0x1;
	[dreg:$0x2] =	wrdreg s5  }
0xab: {  	[dreg:$0x3] =	wrdreg s7  }
0xac: {  	[dreg:$0x4] =	wrdreg $0xC0  }
0xad: {  	_ =	task [dreg:s9], $0x5FFFF  }
0xae: {  	[dreg:$0x1] =	wrdreg $0xFFFFFFFF  }
0xaf: {  	[dreg:$0x0] =	wrdreg $0x60  }
0xb0: {  	[dreg:$0x2] =	wrdreg s2  }
0xb1: {  	[dreg:$0x3] =	wrdreg s18  }
0xb2: {  	[dreg:$0x4] =	wrdreg s24  }
0xb3: {  	[dreg:$0x5] =	wrdreg s4  }
0xb4: {  	[dreg:$0x6] =	wrdreg $0x50800  }
0xb5: {  	[dreg:$0x7] =	wrdreg $0xF0800  }
0xb6: {  	[dreg:$0x8] =	wrdreg $0x9  }
0xb7: {  	_ =	task.clear_ibuf [dreg:s9], $0x9FFFF;
	_ =	strace $0x90000046  }
0xb8: {  	s29 =	simm.s32 $0x9;
	_ =	strace $0x80000048  }
0xb9: {  	_ =	swait.ge [sflag:s29], $0x1  }
0xba: {  	[sflag:s29] =	ssyncadd.s32 $0xFFFFFFFF  }
0xbb: {  	_ =	strace $0x90000048  }
0xbc: {  	_ =	sfence  }
0xbd: {  	s30 =	sld [smem:$0x0];
	_ =	sdelay $0x2  }
0xbe: {  	s31 =	sshll.u32 s1, $0xD;
	s1 =	sshrl.u32 s1, $0x2  }
0xbf: {  	s3 =	sand.u32 $0x4000, s31;
	s1 =	sadd.s32 s1, s30  }
0xc0: {  	s0 =	sor.u32 s3, s0;
	s1 =	sshll.u32 s1, $0x11  }
0xc1: {  	s0 =	sor.u32 s1, s0  }
0xc2: {  	s0 =	sadd.s32 $0x8F2B, s0  }
0xc3: {  	[sflag:s0] =	ssyncadd.remote.s32 $0x1  }
0xc4: {  	_ =	sfence.sel $0xFFFF  }
0xc5: {  	[dreg:$0x0] =	wrdreg $0xFFFFFFFF;
	(pc) =	sbr.abs _section_cstart, $3  }
0xc6: {  	[dreg:$0x1] =	wrdreg $0xFFFFFFFF  }
0xc7: {  	_ =	task.clear_ibuf [dreg:s9], $0x2FFFF;
	_ =	strace $0x9FFFFFFF  }
0xc8: {  	(tm) =	ssettm $0x7FFFFFFF  }
0xc9: {  	_ =	shalt  }
tec
execute0_lowered:
.L_overlay_start_1:
0x0: {  	(tag) =	ssettag $0x1  }
0x1: {  	s1 =	rddreg [dreg:$0x0]  }
0x2: {  	s14 =	rddreg [dreg:$0x1]  }
0x3: {  	s5 =	rddreg [dreg:$0x2]  }
0x4: {  	s12 =	rddreg [dreg:$0x3];
	s23 =	stileid.u32  }
0x5: {  	s3 =	srdreg.scid;
	s6 =	smul.u32 $0x1400, s23  }
0x6: {  	s2 =	rddreg [dreg:$0x4];
	s4 =	simm.s32 $0x0;
	s28 =	smul.u32 $0x28000, s23  }
0x7: {  	s20 =	sand.u32 $0x1, s3;
	s3 =	rddreg [dreg:$0x5];
	s13 =	smul.u32 $0x2800, s23  }
0x8: {  	s19 =	simm.s32 $0x2880;
	[smem:$0x7FF] =	sst s4;
	s16 =	smul.u32 $0x9C4, s23  }
0x9: {  	s7 =	smul.u32 $0x14000, s20;
	_ =	strace $0x80000047;
	s29 =	ssub.s32 $0x2, s20  }
0xa: {  	p0 =	seq.s32 s20, $0x1;
	p2 =	sne.s32 s20, $0x0;
	s20 =	simm.s32 $0x0  }
0xb: {  	s30 =	sshrl.u32 s29, $0x1;
	s10 =	sadd.s32 s13, s3;
	s17 =	sadd.s32 $0x9C4, s16  }
0xc: {  	s18 =	sshrl.u32 s16, $0x4;
	s13 =	sshrl.u32 s13, $0x3;
	s16 =	sand.u32 $0xFFF0, s16  }
0xd: {  	s6 =	sadd.s32 s6, s7;
	s7 =	sshrl.u32 s28, $0x2;
	s15 =	ssub.s32 s29, s30  }
0xe: {  	s17 =	sshrl.u32 s17, $0x4;
	s12 =	sadd.s32 s12, s13;
	s31 =	sshll.u32 s18, $0xB  }
.Ltmp0:
0xf: {  	s16 =	sadd.s32 s16, s14;
	s11 =	sadd.s32 s6, s5;
	(pc) =	sbr.rel .LBB2_1-.Ltmp0, $4  }
0x10: {  	s5 =	sadd.s32 s7, s2;
	s13 =	smax.u32 s15, $0x1;
	s1 =	sadd.s32 s31, s1  }
0x11: {  	s15 =	ssub.s32 s17, s18;
	p1 =	sle.u32 s17, s18;
	s17 =	simm.s32 $0x80  }
0x12: {  	s18 =	simm.s32 $0x1;
	s6 =	sadd.s32 $0x2000, s5;
	s7 =	sadd.s32 $0x4000, s5  }
0x13: {  	v0 =	vimm.f32 $0.0e+00;
	v1 =	vimm.f32 $1.000000000e+00;
	s8 =	sadd.s32 $0x6000, s5;
	s9 =	sadd.s32 $0x8000, s5;
	s11 =	sadd.s32 $0xA00, s11  }
.LBB2_8:
0x14: {  	[sflag:s18] =	ssyncadd.s32 $0xFFFFE000;
	s23 =	stileid.u32  }
.LBB2_9:
0x15: {  	s0 =	sshll.u32 s23, $0x6  }
0x16: {  	[bflag:$0x0] =	sbarrier.arrive $0xFFFF;
	s14 =	sshrl.u32 s5, $0x3;
	s0 =	sor.u32 $0x1C01, s0  }
0x17: {  	[hbm:s11], [sflag:s0] =	dma.local [spmem:s14], $0x1400  }
0x18: {  	_ =	swait.ge [sflag:s18], $0x1400  }
0x19: {  	s20 =	sadd.s32 $0x1, s20;
	[sflag:s18] =	ssyncset.done $0x0  }
0x1a: {  	p3 =	sne.s32 s20, s13;
	s14 =	sshrl.u32 @!p2 s10, $0x3;
	[sflag:s18] =	ssyncadd.s32 $0xFFFFEC00  }
0x1b: {  	[hbm:s12], [sflag:s0] =	dma.local @!p2 [spmem:s14], $0x500  }
.Ltmp1:
0x1c: {  	_ = 	snop;
	(pc) =	sbr.rel @!p3 .LBB2_10-.Ltmp1, $4  }
0x1d: {  	s0 =	simm.s32 @!p2 $0x1  }
0x1e: {  	_ =	swait.ge @!p2 [sflag:s0], $0x500  }
0x1f: {  	[sflag:s0] =	ssyncset.done @!p2 $0x0  }
0x20: {  	[sflag:s0] =	ssyncadd.s32 @!p2 $0xFFFFFB00  }
.LBB2_1:
0x21: {  	s14 =	simm.s32 $0xA0;
	s21 =	simm.s32 $0x0  }
.LBB2_2:
0x22: {  	p3 =	sne.s32 s21, $0x1FC0  }
.Ltmp2:
0x23: {  	[tilespmem:s14+$0xFFFFFFE0] =	vst v0;
	(pc) =	sbr.rel @p3 .LBB2_2-.Ltmp2, $4  }
0x24: {  	[tilespmem:s14+$0xFFFFFFF0] =	vst v0  }
0x25: {  	[tilespmem:s14+$0x0] =	vst v0  }
0x26: {  	[tilespmem:s14+$0x10] =	vst v0;
	s22 =	sshra.s32 s21, $0x2  }
0x27: {  	s14 =	sadd.s32 $0x40, s14;
	s21 =	sadd.s32 $0x40, s21;
	[tilespmem:s22+$0x2080] =	vst v1  }
0x28: {  	s14 =	simm.s32 $0x40;
	s21 =	simm.s32 $0x0  }
.LBB2_4:
0x29: {  	p3 =	sne.s32 s14, $0x9FC0;
	[tilespmem:s21+$0x2880] =	vst v0;
	s21 =	smov.u32 s14;
	s14 =	sadd.s32 $0x40, s14  }
.Ltmp3:
0x2a: {  	(pc) =	sbr.rel @p3 .LBB2_4-.Ltmp3, $2  }
0x2b: {  	_ =	sdelay $0x2  }
0x2c: {  	s21 =	sshra.s32 s21, $0x2  }
0x2d: {  	[tilespmem:s21+$0x2880] =	vst v0  }
0x2e: {  	[spmem:s5] =	stream.linear.scatter [tilespmem:s17], [sflag:$0x1], $0x2000, $0x38;
	[tilespmem:$0x11880] =	vst v63  }
0x2f: {  	_ =	swait.ge [sflag:s18], $0x2000  }
0x30: {  	[sflag:s18] =	ssyncset.done $0x0  }
0x31: {  	[sflag:s18] =	ssyncadd.s32 $0xFFFFE000  }
0x32: {  	[spmem:s6] =	stream.linear.scatter [tilespmem:s17], [sflag:$0x1], $0x2000, $0x38;
	[tilespmem:$0x11880] =	vst v63  }
0x33: {  	_ =	swait.ge [sflag:s18], $0x2000  }
0x34: {  	[sflag:s18] =	ssyncset.done $0x0  }
0x35: {  	[sflag:s18] =	ssyncadd.s32 $0xFFFFE000  }
0x36: {  	[spmem:s7] =	stream.linear.scatter [tilespmem:s17], [sflag:$0x1], $0x2000, $0x38;
	[tilespmem:$0x11880] =	vst v63  }
0x37: {  	_ =	swait.ge [sflag:s18], $0x2000  }
0x38: {  	[sflag:s18] =	ssyncset.done $0x0  }
0x39: {  	[sflag:s18] =	ssyncadd.s32 $0xFFFFE000  }
0x3a: {  	[spmem:s8] =	stream.linear.scatter [tilespmem:s17], [sflag:$0x1], $0x2000, $0x38;
	[tilespmem:$0x11880] =	vst v63  }
0x3b: {  	_ =	swait.ge [sflag:s18], $0x2000  }
0x3c: {  	[sflag:s18] =	ssyncset.done $0x0  }
0x3d: {  	[sflag:s18] =	ssyncadd.s32 $0xFFFFE000  }
0x3e: {  	[spmem:s9] =	stream.linear.scatter [tilespmem:s17], [sflag:$0x1], $0x2000, $0x38;
	[tilespmem:$0x11880] =	vst v63  }
0x3f: {  	_ =	swait.ge [sflag:s18], $0x2000  }
0x40: {  	[sflag:s18] =	ssyncset.done $0x0  }
0x41: {  	[sflag:s18] =	ssyncadd.s32 $0xFFFFE000  }
0x42: {  	[spmem:s10] =	stream.linear.scatter [tilespmem:s19], [sflag:$0x1], $0x2800, $0x38;
	[tilespmem:$0x11880] =	vst v63  }
.Ltmp4:
0x43: {  	_ =	swait.ge [sflag:s18], $0x2800;
	(pc) =	sbr.rel @p1 .LBB2_9-.Ltmp4, $3  }
0x44: {  	[sflag:s18] =	ssyncset.done $0x0  }
0x45: {  	[sflag:s18] =	ssyncadd.s32 $0xFFFFD800  }
0x46: {  	[bflag:$0x0] =	sbarrier.arrive $0xFFFF;
	_ =	sdelay $0x1  }
0x47: {  	[tilespmem:s4], [sflag:$0x1] =	stream.linear.gather [hbm4b:s16+s4], $0x80, $0x38;
	[tilespmem:$0x11880] =	vst v63  }
0x48: {  	_ =	swait.ge [sflag:s18], $0x80  }
0x49: {  	s21 =	simm.s32 @p0 $0x80;
	s22 =	simm.s32 @p0 $0x1;
	[sflag:s18] =	ssyncset.done $0x0  }
0x4a: {  	s14 =	sadd.s32 @p0 $0x8, s1;
	s23 =	simm.s32 @p0 $0x40;
	[sflag:s18] =	ssyncadd.s32 $0xFFFFFF80  }
0x4b: {  	[tilespmem:s21], [sflag:$0x1] =	stream.strided.gather @p0 [hbm4b:s14+s23], $0x2000, s21, s23, $0x38;
	[tilespmem:$0x11880] =	vst v63  }
0x4c: {  	_ =	swait.ge @p0 [sflag:s22], $0x2000  }
0x4d: {  	s24 =	simm.s32 @!p0 $0x1;
	[sflag:s22] =	ssyncset.done @p0 $0x0  }
0x4e: {  	s25 =	simm.s32 @!p0 $0x40;
	s26 =	simm.s32 @!p0 $0x80;
	[sflag:s22] =	ssyncadd.s32 @p0 $0xFFFFE000  }
0x4f: {  	[tilespmem:s26], [sflag:$0x1] =	stream.strided.gather @!p0 [hbm4b:s1+s25], $0x2000, s26, s25, $0x38;
	[tilespmem:$0x11880] =	vst v63  }
0x50: {  	_ =	swait.ge @!p0 [sflag:s24], $0x2000  }
0x51: {  	s28 =	simm.s32 @!p0 $0x0;
	[sflag:s24] =	ssyncset.done @!p0 $0x0  }
0x52: {  	s29 =	simm.s32 @!p0 $0x2080;
	s30 =	sadd.s32 $0xFFFFFFFF, s15;
	[sflag:s24] =	ssyncadd.s32 @!p0 $0xFFFFE000  }
0x53: {  	[spmem:s3] =	stream.indirect.scatter.add.f32 @!p0 [tilespmem:s29], [sflag:$0x1], $0x10, s28, s26, $0xb8;
	[tilespmem:$0x11880] =	vst v63  }
0x54: {  	p3 =	sne.s32 s30, $0x0;
	_ =	swait.ge @!p0 [sflag:s24], $0x800  }
.Ltmp5:
0x55: {  	[sflag:s24] =	ssyncset.done @!p0 $0x0;
	(pc) =	sbr.rel @!p3 .LBB2_8-.Ltmp5, $4  }
0x56: {  	[sflag:s24] =	ssyncadd.s32 @!p0 $0xFFFFF800  }
0x57: {  	[spmem:s2] =	stream.indirect.scatter.add.f32 [tilespmem:s17], [sflag:$0x1], $0x40, s4, s17, $0xb8;
	[tilespmem:$0x11880] =	vst v63  }
0x58: {  	_ =	swait.ge [sflag:s18], $0x2000  }
0x59: {  	s31 =	sadd.s32 $0x10, s16;
	s14 =	smov.u32 s1;
	[sflag:s18] =	ssyncset.done $0x0  }
.LBB2_7:
0x5a: {  	s30 =	sadd.s32 $0xFFFFFFFF, s30;
	[sflag:s18] =	ssyncadd.s32 $0xFFFFE000;
	s14 =	sadd.s32 $0x800, s14  }
0x5b: {  	[tilespmem:s4], [sflag:$0x1] =	stream.linear.gather [hbm4b:s31+s4], $0x80, $0x38;
	[tilespmem:$0x11880] =	vst v63  }
0x5c: {  	p3 =	sne.s32 s30, $0x0;
	_ =	swait.ge [sflag:s18], $0x80  }
0x5d: {  	[sflag:s18] =	ssyncset.done $0x0  }
0x5e: {  	s0 =	sadd.s32 @p0 $0x8, s14;
	[sflag:s18] =	ssyncadd.s32 $0xFFFFFF80  }
0x5f: {  	[tilespmem:s21], [sflag:$0x1] =	stream.strided.gather @p0 [hbm4b:s0+s23], $0x2000, s21, s23, $0x38;
	[tilespmem:$0x11880] =	vst v63  }
0x60: {  	_ =	swait.ge @p0 [sflag:s22], $0x2000  }
0x61: {  	[sflag:s22] =	ssyncset.done @p0 $0x0  }
0x62: {  	[sflag:s22] =	ssyncadd.s32 @p0 $0xFFFFE000  }
0x63: {  	[tilespmem:s26], [sflag:$0x1] =	stream.strided.gather @!p0 [hbm4b:s14+s25], $0x2000, s26, s25, $0x38;
	[tilespmem:$0x11880] =	vst v63  }
0x64: {  	_ =	swait.ge @!p0 [sflag:s24], $0x2000  }
0x65: {  	[sflag:s24] =	ssyncset.done @!p0 $0x0  }
0x66: {  	[sflag:s24] =	ssyncadd.s32 @!p0 $0xFFFFE000  }
0x67: {  	[spmem:s3] =	stream.indirect.scatter.add.f32 @!p0 [tilespmem:s29], [sflag:$0x1], $0x10, s28, s26, $0xb8;
	[tilespmem:$0x11880] =	vst v63  }
0x68: {  	_ =	swait.ge @!p0 [sflag:s24], $0x800  }
.Ltmp6:
0x69: {  	[sflag:s24] =	ssyncset.done @!p0 $0x0;
	(pc) =	sbr.rel @p3 .LBB2_7-.Ltmp6, $4  }
0x6a: {  	[sflag:s24] =	ssyncadd.s32 @!p0 $0xFFFFF800  }
0x6b: {  	[spmem:s2] =	stream.indirect.scatter.add.f32 [tilespmem:s17], [sflag:$0x1], $0x40, s4, s17, $0xb8;
	[tilespmem:$0x11880] =	vst v63  }
0x6c: {  	_ =	swait.ge [sflag:s18], $0x2000  }
0x6d: {  	s31 =	sadd.s32 $0x10, s31;
	[sflag:s18] =	ssyncset.done $0x0  }
.Ltmp7:
0x6e: {  	_ = 	snop;
	(pc) =	sbr.rel .LBB2_8-.Ltmp7, $1  }
0x6f: {  	_ =	sdelay $0x3  }
.LBB2_10:
0x70: {  	_ =	sfence.sel $0x180000  }
0x71: {  	[bflag:$0x0] =	sbarrier.arrive $0xFFFF  }
0x72: {  	_ =	strace $0x90000047  }
0x73: {  	[bflag:$0x2] =	sbarrier.arrive $0xFFFF  }
0x74: {  	p0 =	sne.s32 s23, $0x0;
	s0 =	rddreg [dreg:$0x6]  }
0x75: {  	s0 =	sadd.s32 @!p0 $0x100000, s0  }
0x76: {  	[sflag:s0] =	ssyncadd.tile.s32 @!p0 $0x1;
	_ =	shalt  }
.Lfunc_end2:
_tile_overlayer_lowered:
.L_overlay_start_2:
0x77: {  	(tag) =	ssettag $0x2  }
0x78: {  	s0 =	rddreg [dreg:$0x0];
	s2 =	stileid.u32  }
0x79: {  	s1 =	rddreg [dreg:$0x1];
	p0 =	sne.s32 s2, $0x0  }
0x7a: {  	s3 =	rddreg [dreg:$0x2];
	[bflag:$0x3] =	sbarrier.arrive $0xFFFF;
	s2 =	simm.s32 @!p0 $0x1C01  }
0x7b: {  	[timem:s3], [sflag:s2] =	dma.local @!p0 [hbm:s0], s1  }
0x7c: {  	s0 =	simm.s32 @!p0 $0x1  }
0x7d: {  	_ =	swait.ge @!p0 [sflag:s0], s1  }
0x7e: {  	s1 =	ssub.s32 @!p0 $0x0, s1;
	[sflag:s0] =	ssyncset.done @!p0 $0x0  }
0x7f: {  	[sflag:s0] =	ssyncadd.s32 @!p0 s1  }
0x80: {  	[bflag:$0x3] =	sbarrier.arrive $0xFFFF  }
0x81: {  	_ =	shalt  }

</sc_bundles>
